<compile_context>
chip_gen: v7x
topology: tpu7x:2x2x1
jax: 0.10.2.dev20260603
libtpu: 0.0.44.dev20260713+nightly
codegen_flags: <defaults>
</compile_context>

<pallas_src>
import functools

import jax
import jax.numpy as jnp
from jax import lax
from jax.experimental import pallas as pl
from jax.experimental.pallas import tpu as pltpu
from jax.experimental.pallas import tpu_sc as plsc

N_TOK = 16 * 576
D = 64
V = 8192
ROWS = 512
COLS = 2048
GRID_I = N_TOK // ROWS
GRID_C = V // COLS
BIG_I32 = 2 ** 30

_NW = 32
_BPW = N_TOK // _NW
_GCH = 96


def _round_bf16(v):
    bits = lax.bitcast_convert_type(v, jnp.int32)
    rounded = (bits + 0x7FFF + ((bits >> 16) & 1)) & ~0xFFFF
    return lax.bitcast_convert_type(rounded, jnp.float32)


def _argmin_body(x_ref, x2_ref, wt2_ref, w2_ref, out_ref):
    best_s = jnp.full((ROWS, 1), jnp.inf, jnp.float32)
    best_fi = jnp.zeros((ROWS, 1), jnp.float32)
    x2 = x2_ref[...]
    fcol = lax.broadcasted_iota(jnp.int32, (ROWS, COLS), 1).astype(jnp.float32)
    for c in range(GRID_C):
        sl = slice(c * COLS, (c + 1) * COLS)
        mm2 = lax.dot_general(x_ref[...], wt2_ref[sl, :], (((1,), (1,)), ((), ())),
                              preferred_element_type=jnp.float32)
        d2 = (x2 + w2_ref[:, sl]) - mm2
        s = d2 * lax.rsqrt(d2)
        m = jnp.min(s, axis=1, keepdims=True)
        fidx = jnp.min(jnp.where(s == m, fcol, 3.0e9),
                       axis=1, keepdims=True) + float(c * COLS)
        upd = m < best_s
        best_fi = jnp.where(upd, fidx, best_fi)
        best_s = _round_bf16(jnp.where(upd, m, best_s))
    out_ref[...] = best_fi.astype(jnp.int32)


def _tc_argmin(x_flat, x2, wt2, w2, interpret=False):
    return pl.pallas_call(
        _argmin_body,
        grid=(GRID_I,),
        in_specs=[
            pl.BlockSpec((ROWS, D), lambda i: (i, 0)),
            pl.BlockSpec((ROWS, 1), lambda i: (i, 0)),
            pl.BlockSpec((V, D), lambda i: (0, 0)),
            pl.BlockSpec((1, V), lambda i: (0, 0)),
        ],
        out_specs=pl.BlockSpec((ROWS, 1), lambda i: (i, 0)),
        out_shape=jax.ShapeDtypeStruct((N_TOK, 1), jnp.int32),
        interpret=interpret,
    )(x_flat, x2, wt2, w2)


def _sc_gather_fn():
    mesh = plsc.VectorSubcoreMesh(core_axis_name="c", subcore_axis_name="s")

    @functools.partial(
        pl.kernel,
        mesh=mesh,
        out_type=[
            jax.ShapeDtypeStruct((N_TOK, D), jnp.float32),
            jax.ShapeDtypeStruct((_NW, 16), jnp.float32),
        ],
        scratch_types=[
            pltpu.VMEM((_BPW,), jnp.int32),
            pltpu.VMEM((_BPW, 128), jnp.float32),
            pltpu.VMEM((_BPW, D), jnp.float32),
            pltpu.VMEM((16,), jnp.float32),
            pltpu.SemaphoreType.DMA,
        ],
    )
    def sc_fn(w_hbm, idx_hbm, x_hbm, qst_hbm, part_hbm,
              idx_v, q_v, x_v, acc_v, sem):
        wid = lax.axis_index("s") * 2 + lax.axis_index("c")
        base = wid * _BPW
        pltpu.sync_copy(idx_hbm.at[pl.ds(base, _BPW)], idx_v)
        pltpu.sync_copy(x_hbm.at[pl.ds(base, _BPW)], x_v)
        copies = [
            pltpu.async_copy(
                w_hbm.at[idx_v.at[pl.ds(k * _GCH, _GCH)]],
                q_v.at[pl.ds(k * _GCH, _GCH)],
                sem,
            )
            for k in range(_BPW // _GCH)
        ]
        for cp in copies:
            cp.wait()

        def row_body(r, acc):
            for kk in range(D // 16):
                sl = pl.ds(kk * 16, 16)
                q = q_v[r, sl]
                xv = x_v[r, sl]
                dlt = q - xv
                x_v[r, sl] = xv + dlt
                acc = acc + dlt * dlt
            return acc

        acc = lax.fori_loop(0, _BPW, row_body, jnp.zeros((16,), jnp.float32))
        acc_v[...] = acc
        pltpu.sync_copy(x_v, qst_hbm.at[pl.ds(base, _BPW)])
        pltpu.sync_copy(acc_v, part_hbm.at[wid])

    return sc_fn


def kernel(x, W):
    B, S, _ = x.shape
    x_flat = x.reshape(-1, D)
    x2 = jnp.sum(x_flat * x_flat, axis=1, keepdims=True)
    w2 = jnp.sum(W * W, axis=1)[None, :]
    wt2 = W * 2.0
    xb = x_flat.astype(jnp.bfloat16)
    idx_col = _tc_argmin(xb, x2, wt2, w2)
    indices = idx_col.reshape(-1)
    w_pad = jnp.pad(W, ((0, 0), (0, 128 - D)))
    qst_flat, partials = _sc_gather_fn()(w_pad, indices, x_flat)
    mse = jnp.sum(partials) / jnp.float32(x.size)
    commitment_loss = mse * 0.25
    codebook_loss = mse
    total_loss = commitment_loss + codebook_loss
    return (qst_flat.reshape(x.shape), indices.reshape(B, S),
            commitment_loss, codebook_loss, total_loss)

# --- scband reference (transcript-rebuilt; emitter-appended) ---
"""Pipeline reference for scband-vector-quantizer-67138928771521 (READ-ONLY COPY).

The authoritative reference and input builder live on the scoring server;
editing this copy changes nothing except your own understanding.
"""

import jax, jax.numpy as jnp
import numpy as np

NUM_EMBEDDINGS = 8192
EMBEDDING_DIM = 64
COMMITMENT_COST = 0.25


def setup_inputs(seed: int = 0) -> dict:
    key = jax.random.key(seed)
    k1, k2 = jax.random.split(key)
    x = jax.random.normal(k1, (16, 576, EMBEDDING_DIM), dtype=jnp.float32)
    # nn.init.uniform_(weight, -1/num_embeddings, 1/num_embeddings)
    W = jax.random.uniform(k2, (NUM_EMBEDDINGS, EMBEDDING_DIM), minval=-1.0 / NUM_EMBEDDINGS, maxval=1.0 / NUM_EMBEDDINGS, dtype=jnp.float32)
    return {"x": x, "W": W}


def reference(x, W):
    B, S, D = x.shape
    x_flat = x.reshape(-1, D)
    # torch.cdist (p=2): euclidean distance via expansion
    x2 = jnp.sum(x_flat * x_flat, axis=1, keepdims=True)
    w2 = jnp.sum(W * W, axis=1)[None, :]
    d2 = jnp.maximum(x2 + w2 - 2.0 * (x_flat @ W.T), 0.0)
    distances = jnp.sqrt(d2)
    indices = jnp.argmin(distances, axis=1)
    quantized_flat = jnp.take(W, indices, axis=0)
    quantized = quantized_flat.reshape(x.shape)
    commitment_loss = jnp.mean((x - jax.lax.stop_gradient(quantized)) ** 2) * COMMITMENT_COST
    codebook_loss = jnp.mean((quantized - jax.lax.stop_gradient(x)) ** 2)
    quantized_st = x + jax.lax.stop_gradient(quantized - x)
    total_loss = commitment_loss + codebook_loss
    indices_out = indices.reshape(B, S)
    return quantized_st, indices_out, commitment_loss, codebook_loss, total_loss

if __name__ == "__main__":
    import jax
    _d = setup_inputs()
    print(jax.jit(kernel)(*tuple(_d.values())))

</pallas_src>

<mosaic_0001>
#map = affine_map<(d0, d1) -> (0, 0)>
#map1 = affine_map<(d0, d1) -> (0)>
module attributes {stable_mosaic.version = 14 : i64} {
  func.func @sc_fn(%arg0: i32, %arg1: i32, %arg2: memref<8192x128xf32, #tpu.memory_space<hbm>>, %arg3: memref<9216xi32, #tpu.memory_space<hbm>>, %arg4: memref<9216x64xf32, #tpu.memory_space<hbm>>, %arg5: memref<9216x64xf32, #tpu.memory_space<hbm>>, %arg6: memref<32x16xf32, #tpu.memory_space<hbm>>, %arg7: memref<288xi32, #tpu.memory_space<vmem>>, %arg8: memref<288x128xf32, #tpu.memory_space<vmem>>, %arg9: memref<288x64xf32, #tpu.memory_space<vmem>>, %arg10: memref<16xf32, #tpu.memory_space<vmem>>, %arg11: memref<!tpu.dma_semaphore, #tpu.memory_space<semaphore_mem>>) attributes {dimension_semantics = [#tpu.dimension_semantics<core_parallel>, #tpu.dimension_semantics<subcore_parallel>], iteration_bounds = array<i64: 2, 16>, scalar_prefetch = 0 : i64, scratch_operands = 5 : i64, tpu.core_type = #tpu.core_type<sc_vector_subcore>, window_params = [{transform_indices = #map}, {transform_indices = #map1}, {transform_indices = #map}, {transform_indices = #map}, {transform_indices = #map}]} {
    %mul3A = arith.constant 2 : i32
    %mul3A_0 = arith.muli %arg1, %mul3A : i32
    %add3A = arith.addi %mul3A_0, %arg0 : i32
    %mul3A_1 = arith.constant 288 : i32
    %mul3A_2 = arith.muli %add3A, %mul3A_1 : i32
    "tpu.region"() ({
      %run_scoped3A = tpu.sem_alloc : memref<!tpu.dma_semaphore, #tpu.memory_space<semaphore_mem>>
      %dma_start3A_58 = tpu.memref_slice %arg3[%mul3A_2] : memref<9216xi32, #tpu.memory_space<hbm>> -> memref<288xi32, #tpu.memory_space<hbm>>
      %dma_start3A_59 = tpu.memref_slice %arg3[%mul3A_2] : memref<9216xi32, #tpu.memory_space<hbm>> -> memref<288xi32, #tpu.memory_space<hbm>>
      tpu.enqueue_dma source(%dma_start3A_59 : memref<288xi32, #tpu.memory_space<hbm>>) target(%arg7 : memref<288xi32, #tpu.memory_space<vmem>>) target_semaphore(%run_scoped3A : memref<!tpu.dma_semaphore, #tpu.memory_space<semaphore_mem>>)
      %dma_wait3A_60 = tpu.memref_slice %arg3[%mul3A_2] : memref<9216xi32, #tpu.memory_space<hbm>> -> memref<288xi32, #tpu.memory_space<hbm>>
      %dma_wait3A_61 = tpu.memref_slice %arg3[%mul3A_2] : memref<9216xi32, #tpu.memory_space<hbm>> -> memref<288xi32, #tpu.memory_space<hbm>>
      tpu.wait_dma2 semaphore(%run_scoped3A : memref<!tpu.dma_semaphore, #tpu.memory_space<semaphore_mem>>) src(%dma_wait3A_61 : memref<288xi32, #tpu.memory_space<hbm>>) dst(%arg7 : memref<288xi32, #tpu.memory_space<vmem>>)
      tpu.yield
    }) : () -> ()
    "tpu.region"() ({
      %run_scoped3A = tpu.sem_alloc : memref<!tpu.dma_semaphore, #tpu.memory_space<semaphore_mem>>
      %dma_start3A_58 = arith.constant 0 : i32
      %dma_start3A_59 = tpu.memref_slice %arg4[%mul3A_2, %dma_start3A_58] : memref<9216x64xf32, #tpu.memory_space<hbm>> -> memref<288x64xf32, #tpu.memory_space<hbm>>
      %dma_start3A_60 = arith.constant 0 : i32
      %dma_start3A_61 = tpu.memref_slice %arg4[%mul3A_2, %dma_start3A_60] : memref<9216x64xf32, #tpu.memory_space<hbm>> -> memref<288x64xf32, #tpu.memory_space<hbm>>
      tpu.enqueue_dma source(%dma_start3A_61 : memref<288x64xf32, #tpu.memory_space<hbm>>) target(%arg9 : memref<288x64xf32, #tpu.memory_space<vmem>>) target_semaphore(%run_scoped3A : memref<!tpu.dma_semaphore, #tpu.memory_space<semaphore_mem>>)
      %dma_wait3A_62 = arith.constant 0 : i32
      %dma_wait3A_63 = tpu.memref_slice %arg4[%mul3A_2, %dma_wait3A_62] : memref<9216x64xf32, #tpu.memory_space<hbm>> -> memref<288x64xf32, #tpu.memory_space<hbm>>
      %dma_wait3A_64 = arith.constant 0 : i32
      %dma_wait3A_65 = tpu.memref_slice %arg4[%mul3A_2, %dma_wait3A_64] : memref<9216x64xf32, #tpu.memory_space<hbm>> -> memref<288x64xf32, #tpu.memory_space<hbm>>
      tpu.wait_dma2 semaphore(%run_scoped3A : memref<!tpu.dma_semaphore, #tpu.memory_space<semaphore_mem>>) src(%dma_wait3A_65 : memref<288x64xf32, #tpu.memory_space<hbm>>) dst(%arg9 : memref<288x64xf32, #tpu.memory_space<vmem>>)
      tpu.yield
    }) : () -> ()
    %dma_start3A = arith.constant 0 : i32
    %dma_start3A_3 = arith.constant 0 : i32
    %dma_start3A_4 = tpu.memref_slice %arg8[%dma_start3A, %dma_start3A_3] : memref<288x128xf32, #tpu.memory_space<vmem>> -> memref<96x128xf32, #tpu.memory_space<vmem>>
    %dma_start3A_5 = arith.constant 0 : i32
    %dma_start3A_6 = tpu.memref_slice %arg7[%dma_start3A_5] : memref<288xi32, #tpu.memory_space<vmem>> -> memref<96xi32, #tpu.memory_space<vmem>>
    %dma_start3A_7 = arith.constant 0 : i32
    %dma_start3A_8 = arith.constant 0 : i32
    %dma_start3A_9 = tpu.memref_slice %arg2[%dma_start3A_7, %dma_start3A_8] : memref<8192x128xf32, #tpu.memory_space<hbm>> -> memref<8192x128xf32, #tpu.memory_space<hbm>>
    tpu.enqueue_indirect_dma source(%dma_start3A_9 : memref<8192x128xf32, #tpu.memory_space<hbm>>) target(%dma_start3A_4 : memref<96x128xf32, #tpu.memory_space<vmem>>) offsets(%dma_start3A_6 : memref<96xi32, #tpu.memory_space<vmem>>) semaphore(%arg11 : memref<!tpu.dma_semaphore, #tpu.memory_space<semaphore_mem>>)
    %dma_start3A_10 = arith.constant 96 : i32
    %dma_start3A_11 = arith.constant 0 : i32
    %dma_start3A_12 = tpu.memref_slice %arg8[%dma_start3A_10, %dma_start3A_11] : memref<288x128xf32, #tpu.memory_space<vmem>> -> memref<96x128xf32, #tpu.memory_space<vmem>>
    %dma_start3A_13 = arith.constant 96 : i32
    %dma_start3A_14 = tpu.memref_slice %arg7[%dma_start3A_13] : memref<288xi32, #tpu.memory_space<vmem>> -> memref<96xi32, #tpu.memory_space<vmem>>
    %dma_start3A_15 = arith.constant 0 : i32
    %dma_start3A_16 = arith.constant 0 : i32
    %dma_start3A_17 = tpu.memref_slice %arg2[%dma_start3A_15, %dma_start3A_16] : memref<8192x128xf32, #tpu.memory_space<hbm>> -> memref<8192x128xf32, #tpu.memory_space<hbm>>
    tpu.enqueue_indirect_dma source(%dma_start3A_17 : memref<8192x128xf32, #tpu.memory_space<hbm>>) target(%dma_start3A_12 : memref<96x128xf32, #tpu.memory_space<vmem>>) offsets(%dma_start3A_14 : memref<96xi32, #tpu.memory_space<vmem>>) semaphore(%arg11 : memref<!tpu.dma_semaphore, #tpu.memory_space<semaphore_mem>>)
    %dma_start3A_18 = arith.constant 192 : i32
    %dma_start3A_19 = arith.constant 0 : i32
    %dma_start3A_20 = tpu.memref_slice %arg8[%dma_start3A_18, %dma_start3A_19] : memref<288x128xf32, #tpu.memory_space<vmem>> -> memref<96x128xf32, #tpu.memory_space<vmem>>
    %dma_start3A_21 = arith.constant 192 : i32
    %dma_start3A_22 = tpu.memref_slice %arg7[%dma_start3A_21] : memref<288xi32, #tpu.memory_space<vmem>> -> memref<96xi32, #tpu.memory_space<vmem>>
    %dma_start3A_23 = arith.constant 0 : i32
    %dma_start3A_24 = arith.constant 0 : i32
    %dma_start3A_25 = tpu.memref_slice %arg2[%dma_start3A_23, %dma_start3A_24] : memref<8192x128xf32, #tpu.memory_space<hbm>> -> memref<8192x128xf32, #tpu.memory_space<hbm>>
    tpu.enqueue_indirect_dma source(%dma_start3A_25 : memref<8192x128xf32, #tpu.memory_space<hbm>>) target(%dma_start3A_20 : memref<96x128xf32, #tpu.memory_space<vmem>>) offsets(%dma_start3A_22 : memref<96xi32, #tpu.memory_space<vmem>>) semaphore(%arg11 : memref<!tpu.dma_semaphore, #tpu.memory_space<semaphore_mem>>)
    %dma_wait3A = arith.constant 0 : i32
    %dma_wait3A_26 = arith.constant 0 : i32
    %dma_wait3A_27 = tpu.memref_slice %arg8[%dma_wait3A, %dma_wait3A_26] : memref<288x128xf32, #tpu.memory_space<vmem>> -> memref<96x128xf32, #tpu.memory_space<vmem>>
    %dma_wait3A_28 = arith.constant 0 : i32
    %dma_wait3A_29 = tpu.memref_slice %arg7[%dma_wait3A_28] : memref<288xi32, #tpu.memory_space<vmem>> -> memref<96xi32, #tpu.memory_space<vmem>>
    %dma_wait3A_30 = arith.constant 0 : i32
    %dma_wait3A_31 = arith.constant 0 : i32
    %dma_wait3A_32 = tpu.memref_slice %arg2[%dma_wait3A_30, %dma_wait3A_31] : memref<8192x128xf32, #tpu.memory_space<hbm>> -> memref<8192x128xf32, #tpu.memory_space<hbm>>
    tpu.wait_indirect_dma semaphore(%arg11 : memref<!tpu.dma_semaphore, #tpu.memory_space<semaphore_mem>>) src(%dma_wait3A_32 : memref<8192x128xf32, #tpu.memory_space<hbm>>) dst(%dma_wait3A_27 : memref<96x128xf32, #tpu.memory_space<vmem>>)
    %dma_wait3A_33 = arith.constant 96 : i32
    %dma_wait3A_34 = arith.constant 0 : i32
    %dma_wait3A_35 = tpu.memref_slice %arg8[%dma_wait3A_33, %dma_wait3A_34] : memref<288x128xf32, #tpu.memory_space<vmem>> -> memref<96x128xf32, #tpu.memory_space<vmem>>
    %dma_wait3A_36 = arith.constant 96 : i32
    %dma_wait3A_37 = tpu.memref_slice %arg7[%dma_wait3A_36] : memref<288xi32, #tpu.memory_space<vmem>> -> memref<96xi32, #tpu.memory_space<vmem>>
    %dma_wait3A_38 = arith.constant 0 : i32
    %dma_wait3A_39 = arith.constant 0 : i32
    %dma_wait3A_40 = tpu.memref_slice %arg2[%dma_wait3A_38, %dma_wait3A_39] : memref<8192x128xf32, #tpu.memory_space<hbm>> -> memref<8192x128xf32, #tpu.memory_space<hbm>>
    tpu.wait_indirect_dma semaphore(%arg11 : memref<!tpu.dma_semaphore, #tpu.memory_space<semaphore_mem>>) src(%dma_wait3A_40 : memref<8192x128xf32, #tpu.memory_space<hbm>>) dst(%dma_wait3A_35 : memref<96x128xf32, #tpu.memory_space<vmem>>)
    %dma_wait3A_41 = arith.constant 192 : i32
    %dma_wait3A_42 = arith.constant 0 : i32
    %dma_wait3A_43 = tpu.memref_slice %arg8[%dma_wait3A_41, %dma_wait3A_42] : memref<288x128xf32, #tpu.memory_space<vmem>> -> memref<96x128xf32, #tpu.memory_space<vmem>>
    %dma_wait3A_44 = arith.constant 192 : i32
    %dma_wait3A_45 = tpu.memref_slice %arg7[%dma_wait3A_44] : memref<288xi32, #tpu.memory_space<vmem>> -> memref<96xi32, #tpu.memory_space<vmem>>
    %dma_wait3A_46 = arith.constant 0 : i32
    %dma_wait3A_47 = arith.constant 0 : i32
    %dma_wait3A_48 = tpu.memref_slice %arg2[%dma_wait3A_46, %dma_wait3A_47] : memref<8192x128xf32, #tpu.memory_space<hbm>> -> memref<8192x128xf32, #tpu.memory_space<hbm>>
    tpu.wait_indirect_dma semaphore(%arg11 : memref<!tpu.dma_semaphore, #tpu.memory_space<semaphore_mem>>) src(%dma_wait3A_48 : memref<8192x128xf32, #tpu.memory_space<hbm>>) dst(%dma_wait3A_43 : memref<96x128xf32, #tpu.memory_space<vmem>>)
    %broadcast_in_dim3A = arith.constant 0.000000e+00 : f32
    %broadcast_in_dim3A_49 = vector.broadcast %broadcast_in_dim3A : f32 to vector<16xf32>
    %scan3A = arith.constant 0 : i32
    %scan3A_50 = arith.constant 288 : i32
    %scan3A_51 = arith.addi %scan3A, %scan3A_50 : i32
    %scan3A_52 = arith.constant 1 : i32
    %scan3A_53 = scf.for %scan3A_58 = %scan3A to %scan3A_51 step %scan3A_52 iter_args(%scan3A_59 = %broadcast_in_dim3A_49) -> (vector<16xf32>)  : i32 {
      %get3A = arith.index_cast %scan3A_58 : i32 to index
      %get3A_60 = arith.constant 0 : index
      %get3A_61 = tpu.vector_load %arg8[%get3A, %get3A_60] {strides = array<i32>} : memref<288x128xf32, #tpu.memory_space<vmem>>, vector<1x16xf32>,
      %get3A_62 = vector.shape_cast %get3A_61 : vector<1x16xf32> to vector<16xf32>
      %get3A_63 = arith.index_cast %scan3A_58 : i32 to index
      %get3A_64 = arith.constant 0 : index
      %get3A_65 = tpu.vector_load %arg9[%get3A_63, %get3A_64] {strides = array<i32>} : memref<288x64xf32, #tpu.memory_space<vmem>>, vector<1x16xf32>,
      %get3A_66 = vector.shape_cast %get3A_65 : vector<1x16xf32> to vector<16xf32>
      %sub3A = arith.subf %get3A_62, %get3A_66 : vector<16xf32>
      %add3A_67 = arith.addf %get3A_66, %sub3A : vector<16xf32>
      %swap3A_68 = arith.index_cast %scan3A_58 : i32 to index
      %swap3A_69 = arith.constant 0 : index
      %swap3A_70 = tpu.vector_load %arg9[%swap3A_68, %swap3A_69] {strides = array<i32>} : memref<288x64xf32, #tpu.memory_space<vmem>>, vector<1x16xf32>,
      %swap3A_71 = vector.shape_cast %swap3A_70 : vector<1x16xf32> to vector<16xf32>
      %swap3A_72 = vector.shape_cast %add3A_67 : vector<16xf32> to vector<1x16xf32>
      tpu.vector_store %arg9[%swap3A_68, %swap3A_69], %swap3A_72 {strides = array<i32>} : memref<288x64xf32, #tpu.memory_space<vmem>>, vector<1x16xf32>,
      %mul3A_73 = arith.mulf %sub3A, %sub3A : vector<16xf32>
      %add3A_74 = arith.addf %scan3A_59, %mul3A_73 : vector<16xf32>
      %get3A_75 = arith.index_cast %scan3A_58 : i32 to index
      %get3A_76 = arith.constant 16 : index
      %get3A_77 = tpu.vector_load %arg8[%get3A_75, %get3A_76] {strides = array<i32>} : memref<288x128xf32, #tpu.memory_space<vmem>>, vector<1x16xf32>,
      %get3A_78 = vector.shape_cast %get3A_77 : vector<1x16xf32> to vector<16xf32>
      %get3A_79 = arith.index_cast %scan3A_58 : i32 to index
      %get3A_80 = arith.constant 16 : index
      %get3A_81 = tpu.vector_load %arg9[%get3A_79, %get3A_80] {strides = array<i32>} : memref<288x64xf32, #tpu.memory_space<vmem>>, vector<1x16xf32>,
      %get3A_82 = vector.shape_cast %get3A_81 : vector<1x16xf32> to vector<16xf32>
      %sub3A_83 = arith.subf %get3A_78, %get3A_82 : vector<16xf32>
      %add3A_84 = arith.addf %get3A_82, %sub3A_83 : vector<16xf32>
      %swap3A_85 = arith.index_cast %scan3A_58 : i32 to index
      %swap3A_86 = arith.constant 16 : index
      %swap3A_87 = tpu.vector_load %arg9[%swap3A_85, %swap3A_86] {strides = array<i32>} : memref<288x64xf32, #tpu.memory_space<vmem>>, vector<1x16xf32>,
      %swap3A_88 = vector.shape_cast %swap3A_87 : vector<1x16xf32> to vector<16xf32>
      %swap3A_89 = vector.shape_cast %add3A_84 : vector<16xf32> to vector<1x16xf32>
      tpu.vector_store %arg9[%swap3A_85, %swap3A_86], %swap3A_89 {strides = array<i32>} : memref<288x64xf32, #tpu.memory_space<vmem>>, vector<1x16xf32>,
      %mul3A_90 = arith.mulf %sub3A_83, %sub3A_83 : vector<16xf32>
      %add3A_91 = arith.addf %add3A_74, %mul3A_90 : vector<16xf32>
      %get3A_92 = arith.index_cast %scan3A_58 : i32 to index
      %get3A_93 = arith.constant 32 : index
      %get3A_94 = tpu.vector_load %arg8[%get3A_92, %get3A_93] {strides = array<i32>} : memref<288x128xf32, #tpu.memory_space<vmem>>, vector<1x16xf32>,
      %get3A_95 = vector.shape_cast %get3A_94 : vector<1x16xf32> to vector<16xf32>
      %get3A_96 = arith.index_cast %scan3A_58 : i32 to index
      %get3A_97 = arith.constant 32 : index
      %get3A_98 = tpu.vector_load %arg9[%get3A_96, %get3A_97] {strides = array<i32>} : memref<288x64xf32, #tpu.memory_space<vmem>>, vector<1x16xf32>,
      %get3A_99 = vector.shape_cast %get3A_98 : vector<1x16xf32> to vector<16xf32>
      %sub3A_100 = arith.subf %get3A_95, %get3A_99 : vector<16xf32>
      %add3A_101 = arith.addf %get3A_99, %sub3A_100 : vector<16xf32>
      %swap3A_102 = arith.index_cast %scan3A_58 : i32 to index
      %swap3A_103 = arith.constant 32 : index
      %swap3A_104 = tpu.vector_load %arg9[%swap3A_102, %swap3A_103] {strides = array<i32>} : memref<288x64xf32, #tpu.memory_space<vmem>>, vector<1x16xf32>,
      %swap3A_105 = vector.shape_cast %swap3A_104 : vector<1x16xf32> to vector<16xf32>
      %swap3A_106 = vector.shape_cast %add3A_101 : vector<16xf32> to vector<1x16xf32>
      tpu.vector_store %arg9[%swap3A_102, %swap3A_103], %swap3A_106 {strides = array<i32>} : memref<288x64xf32, #tpu.memory_space<vmem>>, vector<1x16xf32>,
      %mul3A_107 = arith.mulf %sub3A_100, %sub3A_100 : vector<16xf32>
      %add3A_108 = arith.addf %add3A_91, %mul3A_107 : vector<16xf32>
      %get3A_109 = arith.index_cast %scan3A_58 : i32 to index
      %get3A_110 = arith.constant 48 : index
      %get3A_111 = tpu.vector_load %arg8[%get3A_109, %get3A_110] {strides = array<i32>} : memref<288x128xf32, #tpu.memory_space<vmem>>, vector<1x16xf32>,
      %get3A_112 = vector.shape_cast %get3A_111 : vector<1x16xf32> to vector<16xf32>
      %get3A_113 = arith.index_cast %scan3A_58 : i32 to index
      %get3A_114 = arith.constant 48 : index
      %get3A_115 = tpu.vector_load %arg9[%get3A_113, %get3A_114] {strides = array<i32>} : memref<288x64xf32, #tpu.memory_space<vmem>>, vector<1x16xf32>,
      %get3A_116 = vector.shape_cast %get3A_115 : vector<1x16xf32> to vector<16xf32>
      %sub3A_117 = arith.subf %get3A_112, %get3A_116 : vector<16xf32>
      %add3A_118 = arith.addf %get3A_116, %sub3A_117 : vector<16xf32>
      %swap3A_119 = arith.index_cast %scan3A_58 : i32 to index
      %swap3A_120 = arith.constant 48 : index
      %swap3A_121 = tpu.vector_load %arg9[%swap3A_119, %swap3A_120] {strides = array<i32>} : memref<288x64xf32, #tpu.memory_space<vmem>>, vector<1x16xf32>,
      %swap3A_122 = vector.shape_cast %swap3A_121 : vector<1x16xf32> to vector<16xf32>
      %swap3A_123 = vector.shape_cast %add3A_118 : vector<16xf32> to vector<1x16xf32>
      tpu.vector_store %arg9[%swap3A_119, %swap3A_120], %swap3A_123 {strides = array<i32>} : memref<288x64xf32, #tpu.memory_space<vmem>>, vector<1x16xf32>,
      %mul3A_124 = arith.mulf %sub3A_117, %sub3A_117 : vector<16xf32>
      %add3A_125 = arith.addf %add3A_108, %mul3A_124 : vector<16xf32>
      scf.yield %add3A_125 : vector<16xf32>
    }
    %scan3A_54 = arith.constant 288 : i32
    %swap3A = arith.constant 0 : index
    %swap3A_55 = tpu.vector_load %arg10[%swap3A] {strides = array<i32>} : memref<16xf32, #tpu.memory_space<vmem>>, vector<16xf32>,
    %swap3A_56 = vector.shape_cast %swap3A_55 : vector<16xf32> to vector<16xf32>
    %swap3A_57 = vector.shape_cast %scan3A_53 : vector<16xf32> to vector<16xf32>
    tpu.vector_store %arg10[%swap3A], %swap3A_57 {strides = array<i32>} : memref<16xf32, #tpu.memory_space<vmem>>, vector<16xf32>,
    "tpu.region"() ({
      %run_scoped3A = tpu.sem_alloc : memref<!tpu.dma_semaphore, #tpu.memory_space<semaphore_mem>>
      %dma_start3A_58 = arith.constant 0 : i32
      %dma_start3A_59 = tpu.memref_slice %arg5[%mul3A_2, %dma_start3A_58] : memref<9216x64xf32, #tpu.memory_space<hbm>> -> memref<288x64xf32, #tpu.memory_space<hbm>>
      %dma_start3A_60 = arith.constant 0 : i32
      %dma_start3A_61 = tpu.memref_slice %arg5[%mul3A_2, %dma_start3A_60] : memref<9216x64xf32, #tpu.memory_space<hbm>> -> memref<288x64xf32, #tpu.memory_space<hbm>>
      tpu.enqueue_dma source(%arg9 : memref<288x64xf32, #tpu.memory_space<vmem>>) target(%dma_start3A_61 : memref<288x64xf32, #tpu.memory_space<hbm>>) target_semaphore(%run_scoped3A : memref<!tpu.dma_semaphore, #tpu.memory_space<semaphore_mem>>)
      %dma_wait3A_62 = arith.constant 0 : i32
      %dma_wait3A_63 = tpu.memref_slice %arg5[%mul3A_2, %dma_wait3A_62] : memref<9216x64xf32, #tpu.memory_space<hbm>> -> memref<288x64xf32, #tpu.memory_space<hbm>>
      %dma_wait3A_64 = arith.constant 0 : i32
      %dma_wait3A_65 = tpu.memref_slice %arg5[%mul3A_2, %dma_wait3A_64] : memref<9216x64xf32, #tpu.memory_space<hbm>> -> memref<288x64xf32, #tpu.memory_space<hbm>>
      tpu.wait_dma2 semaphore(%run_scoped3A : memref<!tpu.dma_semaphore, #tpu.memory_space<semaphore_mem>>) src(%arg9 : memref<288x64xf32, #tpu.memory_space<vmem>>) dst(%dma_wait3A_65 : memref<288x64xf32, #tpu.memory_space<hbm>>)
      tpu.yield
    }) : () -> ()
    "tpu.region"() ({
      %run_scoped3A = tpu.sem_alloc : memref<!tpu.dma_semaphore, #tpu.memory_space<semaphore_mem>>
      %dma_start3A_58 = arith.constant 0 : i32
      %dma_start3A_59 = tpu.memref_slice %arg6[%add3A, %dma_start3A_58] : memref<32x16xf32, #tpu.memory_space<hbm>> -> memref<1x16xf32, #tpu.memory_space<hbm>>
      %dma_start3A_60 = tpu.memref_squeeze %dma_start3A_59 : memref<1x16xf32, #tpu.memory_space<hbm>> -> memref<16xf32, #tpu.memory_space<hbm>>
      %dma_start3A_61 = arith.constant 0 : i32
      %dma_start3A_62 = tpu.memref_slice %arg6[%add3A, %dma_start3A_61] : memref<32x16xf32, #tpu.memory_space<hbm>> -> memref<1x16xf32, #tpu.memory_space<hbm>>
      %dma_start3A_63 = tpu.memref_squeeze %dma_start3A_62 : memref<1x16xf32, #tpu.memory_space<hbm>> -> memref<16xf32, #tpu.memory_space<hbm>>
      tpu.enqueue_dma source(%arg10 : memref<16xf32, #tpu.memory_space<vmem>>) target(%dma_start3A_63 : memref<16xf32, #tpu.memory_space<hbm>>) target_semaphore(%run_scoped3A : memref<!tpu.dma_semaphore, #tpu.memory_space<semaphore_mem>>)
      %dma_wait3A_64 = arith.constant 0 : i32
      %dma_wait3A_65 = tpu.memref_slice %arg6[%add3A, %dma_wait3A_64] : memref<32x16xf32, #tpu.memory_space<hbm>> -> memref<1x16xf32, #tpu.memory_space<hbm>>
      %dma_wait3A_66 = tpu.memref_squeeze %dma_wait3A_65 : memref<1x16xf32, #tpu.memory_space<hbm>> -> memref<16xf32, #tpu.memory_space<hbm>>
      %dma_wait3A_67 = arith.constant 0 : i32
      %dma_wait3A_68 = tpu.memref_slice %arg6[%add3A, %dma_wait3A_67] : memref<32x16xf32, #tpu.memory_space<hbm>> -> memref<1x16xf32, #tpu.memory_space<hbm>>
      %dma_wait3A_69 = tpu.memref_squeeze %dma_wait3A_68 : memref<1x16xf32, #tpu.memory_space<hbm>> -> memref<16xf32, #tpu.memory_space<hbm>>
      tpu.wait_dma2 semaphore(%run_scoped3A : memref<!tpu.dma_semaphore, #tpu.memory_space<semaphore_mem>>) src(%arg10 : memref<16xf32, #tpu.memory_space<vmem>>) dst(%dma_wait3A_69 : memref<16xf32, #tpu.memory_space<hbm>>)
      tpu.yield
    }) : () -> ()
    return
  }
}

module attributes {stable_mosaic.version = 14 : i64} {
  func.func @_argmin_body(%arg0: i32, %arg1: memref<512x64xbf16, #tpu.memory_space<vmem>>, %arg2: memref<512x1xf32, #tpu.memory_space<vmem>>, %arg3: memref<8192x64xf32, #tpu.memory_space<vmem>>, %arg4: memref<1x8192xf32, #tpu.memory_space<vmem>>, %arg5: memref<512x1xi32, #tpu.memory_space<vmem>>) attributes {dimension_semantics = [#tpu.dimension_semantics<arbitrary>], iteration_bounds = array<i64: 18>, scalar_prefetch = 0 : i64, scratch_operands = 0 : i64, tpu.core_type = #tpu.core_type<tc>, window_params = [{transform_indices = @transform_0, window_bounds = array<i64: 512, 64>}, {transform_indices = @transform_1, window_bounds = array<i64: 512, 1>}, {pipeline_mode = #tpu.pipeline_mode<synchronous>, transform_indices = @transform_2, window_bounds = array<i64: 8192, 64>}, {pipeline_mode = #tpu.pipeline_mode<synchronous>, transform_indices = @transform_3, window_bounds = array<i64: 1, 8192>}, {transform_indices = @transform_4, window_bounds = array<i64: 512, 1>}]} {
    %broadcast_in_dim3A = arith.constant 0x7F800000 : f32
    %broadcast_in_dim3A_0 = vector.broadcast %broadcast_in_dim3A : f32 to vector<512x1xf32>
    %broadcast_in_dim3A_1 = arith.constant 0.000000e+00 : f32
    %broadcast_in_dim3A_2 = vector.broadcast %broadcast_in_dim3A_1 : f32 to vector<512x1xf32>
    %get3A = arith.constant 0 : index
    %get3A_3 = arith.constant 0 : index
    %get3A_4 = vector.load %arg2[%get3A, %get3A_3] : memref<512x1xf32, #tpu.memory_space<vmem>>, vector<512x1xf32>
    %iota3A = tpu.iota {dimensions = array<i32: 1>} : vector<512x2048xi32>
    %convert_element_type3A = arith.sitofp %iota3A : vector<512x2048xi32> to vector<512x2048xf32>
    %get3A_5 = arith.constant 0 : index
    %get3A_6 = arith.constant 0 : index
    %get3A_7 = vector.load %arg1[%get3A_5, %get3A_6] : memref<512x64xbf16, #tpu.memory_space<vmem>>, vector<512x64xbf16>
    %get3A_8 = arith.constant 0 : index
    %get3A_9 = arith.constant 0 : index
    %get3A_10 = vector.load %arg3[%get3A_8, %get3A_9] : memref<8192x64xf32, #tpu.memory_space<vmem>>, vector<2048x64xf32>
    %dot_general3A = arith.constant dense<0.000000e+00> : vector<512x2048xf32>
    %dot_general3A_11 = tpu.matmul %get3A_7, %get3A_10, %dot_general3A {dimension_numbers = #tpu.dot_dimension_numbers<[1], [1], [0], [0], [0, 0, 1, 0], [], []>, transpose_lhs_hint = false} : vector<512x64xbf16>, vector<2048x64xf32>, vector<512x2048xf32> -> vector<512x2048xf32>
    %get3A_12 = arith.constant 0 : index
    %get3A_13 = arith.constant 0 : index
    %get3A_14 = vector.load %arg4[%get3A_12, %get3A_13] : memref<1x8192xf32, #tpu.memory_space<vmem>>, vector<1x2048xf32>
    %add3A = vector.broadcast %get3A_4 : vector<512x1xf32> to vector<512x2048xf32>
    %add3A_15 = vector.broadcast %get3A_14 : vector<1x2048xf32> to vector<512x2048xf32>
    %add3A_16 = arith.addf %add3A, %add3A_15 : vector<512x2048xf32>
    %sub3A = arith.subf %add3A_16, %dot_general3A_11 : vector<512x2048xf32>
    %rsqrt3A = math.rsqrt %sub3A : vector<512x2048xf32>
    %mul3A = arith.mulf %sub3A, %rsqrt3A : vector<512x2048xf32>
    %reduce_min3A = arith.constant dense<0x7F800000> : vector<512xf32>
    %reduce_min3A_17 = vector.multi_reduction <minimumf>, %mul3A, %reduce_min3A [1] : vector<512x2048xf32> to vector<512xf32>
    %broadcast_in_dim3A_18 = vector.shape_cast %reduce_min3A_17 : vector<512xf32> to vector<512x1xf32>
    %eq3A = vector.broadcast %broadcast_in_dim3A_18 : vector<512x1xf32> to vector<512x2048xf32>
    %eq3A_19 = arith.cmpf oeq, %mul3A, %eq3A : vector<512x2048xf32>
    %jit3A = arith.constant 3.000000e+09 : f32
    %broadcast_in_dim3A_20 = vector.broadcast %jit3A : f32 to vector<512x2048xf32>
    %select_n3A = arith.select %eq3A_19, %convert_element_type3A, %broadcast_in_dim3A_20 : vector<512x2048xi1>, vector<512x2048xf32>
    %reduce_min3A_21 = arith.constant dense<0x7F800000> : vector<512xf32>
    %reduce_min3A_22 = vector.multi_reduction <minimumf>, %select_n3A, %reduce_min3A_21 [1] : vector<512x2048xf32> to vector<512xf32>
    %broadcast_in_dim3A_23 = vector.shape_cast %reduce_min3A_22 : vector<512xf32> to vector<512x1xf32>
    %add3A_24 = arith.constant 0.000000e+00 : f32
    %add3A_25 = vector.broadcast %add3A_24 : f32 to vector<512x1xf32>
    %add3A_26 = arith.addf %broadcast_in_dim3A_23, %add3A_25 : vector<512x1xf32>
    %lt3A = arith.cmpf olt, %broadcast_in_dim3A_18, %broadcast_in_dim3A_0 : vector<512x1xf32>
    %select_n3A_27 = arith.select %lt3A, %add3A_26, %broadcast_in_dim3A_2 : vector<512x1xi1>, vector<512x1xf32>
    %select_n3A_28 = arith.select %lt3A, %broadcast_in_dim3A_18, %broadcast_in_dim3A_0 : vector<512x1xi1>, vector<512x1xf32>
    %bitcast_convert_type3A = tpu.bitcast %select_n3A_28 : vector<512x1xf32> -> vector<512x1xi32>
    %add3A_29 = arith.constant 32767 : i32
    %add3A_30 = vector.broadcast %add3A_29 : i32 to vector<512x1xi32>
    %add3A_31 = arith.addi %bitcast_convert_type3A, %add3A_30 : vector<512x1xi32>
    %shift_right_arithmetic3A = arith.constant 16 : i32
    %shift_right_arithmetic3A_32 = vector.broadcast %shift_right_arithmetic3A : i32 to vector<512x1xi32>
    %shift_right_arithmetic3A_33 = arith.shrsi %bitcast_convert_type3A, %shift_right_arithmetic3A_32 : vector<512x1xi32>
    %and3A = arith.constant 1 : i32
    %and3A_34 = vector.broadcast %and3A : i32 to vector<512x1xi32>
    %and3A_35 = arith.andi %shift_right_arithmetic3A_33, %and3A_34 : vector<512x1xi32>
    %add3A_36 = arith.addi %add3A_31, %and3A_35 : vector<512x1xi32>
    %and3A_37 = arith.constant -65536 : i32
    %and3A_38 = vector.broadcast %and3A_37 : i32 to vector<512x1xi32>
    %and3A_39 = arith.andi %add3A_36, %and3A_38 : vector<512x1xi32>
    %bitcast_convert_type3A_40 = tpu.bitcast %and3A_39 : vector<512x1xi32> -> vector<512x1xf32>
    %get3A_41 = arith.constant 0 : index
    %get3A_42 = arith.constant 0 : index
    %get3A_43 = vector.load %arg1[%get3A_41, %get3A_42] : memref<512x64xbf16, #tpu.memory_space<vmem>>, vector<512x64xbf16>
    %get3A_44 = arith.constant 2048 : index
    %get3A_45 = arith.constant 0 : index
    %get3A_46 = vector.load %arg3[%get3A_44, %get3A_45] : memref<8192x64xf32, #tpu.memory_space<vmem>>, vector<2048x64xf32>
    %dot_general3A_47 = arith.constant dense<0.000000e+00> : vector<512x2048xf32>
    %dot_general3A_48 = tpu.matmul %get3A_43, %get3A_46, %dot_general3A_47 {dimension_numbers = #tpu.dot_dimension_numbers<[1], [1], [0], [0], [0, 0, 1, 0], [], []>, transpose_lhs_hint = false} : vector<512x64xbf16>, vector<2048x64xf32>, vector<512x2048xf32> -> vector<512x2048xf32>
    %get3A_49 = arith.constant 0 : index
    %get3A_50 = arith.constant 2048 : index
    %get3A_51 = vector.load %arg4[%get3A_49, %get3A_50] : memref<1x8192xf32, #tpu.memory_space<vmem>>, vector<1x2048xf32>
    %add3A_52 = vector.broadcast %get3A_4 : vector<512x1xf32> to vector<512x2048xf32>
    %add3A_53 = vector.broadcast %get3A_51 : vector<1x2048xf32> to vector<512x2048xf32>
    %add3A_54 = arith.addf %add3A_52, %add3A_53 : vector<512x2048xf32>
    %sub3A_55 = arith.subf %add3A_54, %dot_general3A_48 : vector<512x2048xf32>
    %rsqrt3A_56 = math.rsqrt %sub3A_55 : vector<512x2048xf32>
    %mul3A_57 = arith.mulf %sub3A_55, %rsqrt3A_56 : vector<512x2048xf32>
    %reduce_min3A_58 = arith.constant dense<0x7F800000> : vector<512xf32>
    %reduce_min3A_59 = vector.multi_reduction <minimumf>, %mul3A_57, %reduce_min3A_58 [1] : vector<512x2048xf32> to vector<512xf32>
    %broadcast_in_dim3A_60 = vector.shape_cast %reduce_min3A_59 : vector<512xf32> to vector<512x1xf32>
    %eq3A_61 = vector.broadcast %broadcast_in_dim3A_60 : vector<512x1xf32> to vector<512x2048xf32>
    %eq3A_62 = arith.cmpf oeq, %mul3A_57, %eq3A_61 : vector<512x2048xf32>
    %jit3A_63 = arith.constant 3.000000e+09 : f32
    %broadcast_in_dim3A_64 = vector.broadcast %jit3A_63 : f32 to vector<512x2048xf32>
    %select_n3A_65 = arith.select %eq3A_62, %convert_element_type3A, %broadcast_in_dim3A_64 : vector<512x2048xi1>, vector<512x2048xf32>
    %reduce_min3A_66 = arith.constant dense<0x7F800000> : vector<512xf32>
    %reduce_min3A_67 = vector.multi_reduction <minimumf>, %select_n3A_65, %reduce_min3A_66 [1] : vector<512x2048xf32> to vector<512xf32>
    %broadcast_in_dim3A_68 = vector.shape_cast %reduce_min3A_67 : vector<512xf32> to vector<512x1xf32>
    %add3A_69 = arith.constant 2.048000e+03 : f32
    %add3A_70 = vector.broadcast %add3A_69 : f32 to vector<512x1xf32>
    %add3A_71 = arith.addf %broadcast_in_dim3A_68, %add3A_70 : vector<512x1xf32>
    %lt3A_72 = arith.cmpf olt, %broadcast_in_dim3A_60, %bitcast_convert_type3A_40 : vector<512x1xf32>
    %select_n3A_73 = arith.select %lt3A_72, %add3A_71, %select_n3A_27 : vector<512x1xi1>, vector<512x1xf32>
    %select_n3A_74 = arith.select %lt3A_72, %broadcast_in_dim3A_60, %bitcast_convert_type3A_40 : vector<512x1xi1>, vector<512x1xf32>
    %bitcast_convert_type3A_75 = tpu.bitcast %select_n3A_74 : vector<512x1xf32> -> vector<512x1xi32>
    %add3A_76 = arith.constant 32767 : i32
    %add3A_77 = vector.broadcast %add3A_76 : i32 to vector<512x1xi32>
    %add3A_78 = arith.addi %bitcast_convert_type3A_75, %add3A_77 : vector<512x1xi32>
    %shift_right_arithmetic3A_79 = arith.constant 16 : i32
    %shift_right_arithmetic3A_80 = vector.broadcast %shift_right_arithmetic3A_79 : i32 to vector<512x1xi32>
    %shift_right_arithmetic3A_81 = arith.shrsi %bitcast_convert_type3A_75, %shift_right_arithmetic3A_80 : vector<512x1xi32>
    %and3A_82 = arith.constant 1 : i32
    %and3A_83 = vector.broadcast %and3A_82 : i32 to vector<512x1xi32>
    %and3A_84 = arith.andi %shift_right_arithmetic3A_81, %and3A_83 : vector<512x1xi32>
    %add3A_85 = arith.addi %add3A_78, %and3A_84 : vector<512x1xi32>
    %and3A_86 = arith.constant -65536 : i32
    %and3A_87 = vector.broadcast %and3A_86 : i32 to vector<512x1xi32>
    %and3A_88 = arith.andi %add3A_85, %and3A_87 : vector<512x1xi32>
    %bitcast_convert_type3A_89 = tpu.bitcast %and3A_88 : vector<512x1xi32> -> vector<512x1xf32>
    %get3A_90 = arith.constant 0 : index
    %get3A_91 = arith.constant 0 : index
    %get3A_92 = vector.load %arg1[%get3A_90, %get3A_91] : memref<512x64xbf16, #tpu.memory_space<vmem>>, vector<512x64xbf16>
    %get3A_93 = arith.constant 4096 : index
    %get3A_94 = arith.constant 0 : index
    %get3A_95 = vector.load %arg3[%get3A_93, %get3A_94] : memref<8192x64xf32, #tpu.memory_space<vmem>>, vector<2048x64xf32>
    %dot_general3A_96 = arith.constant dense<0.000000e+00> : vector<512x2048xf32>
    %dot_general3A_97 = tpu.matmul %get3A_92, %get3A_95, %dot_general3A_96 {dimension_numbers = #tpu.dot_dimension_numbers<[1], [1], [0], [0], [0, 0, 1, 0], [], []>, transpose_lhs_hint = false} : vector<512x64xbf16>, vector<2048x64xf32>, vector<512x2048xf32> -> vector<512x2048xf32>
    %get3A_98 = arith.constant 0 : index
    %get3A_99 = arith.constant 4096 : index
    %get3A_100 = vector.load %arg4[%get3A_98, %get3A_99] : memref<1x8192xf32, #tpu.memory_space<vmem>>, vector<1x2048xf32>
    %add3A_101 = vector.broadcast %get3A_4 : vector<512x1xf32> to vector<512x2048xf32>
    %add3A_102 = vector.broadcast %get3A_100 : vector<1x2048xf32> to vector<512x2048xf32>
    %add3A_103 = arith.addf %add3A_101, %add3A_102 : vector<512x2048xf32>
    %sub3A_104 = arith.subf %add3A_103, %dot_general3A_97 : vector<512x2048xf32>
    %rsqrt3A_105 = math.rsqrt %sub3A_104 : vector<512x2048xf32>
    %mul3A_106 = arith.mulf %sub3A_104, %rsqrt3A_105 : vector<512x2048xf32>
    %reduce_min3A_107 = arith.constant dense<0x7F800000> : vector<512xf32>
    %reduce_min3A_108 = vector.multi_reduction <minimumf>, %mul3A_106, %reduce_min3A_107 [1] : vector<512x2048xf32> to vector<512xf32>
    %broadcast_in_dim3A_109 = vector.shape_cast %reduce_min3A_108 : vector<512xf32> to vector<512x1xf32>
    %eq3A_110 = vector.broadcast %broadcast_in_dim3A_109 : vector<512x1xf32> to vector<512x2048xf32>
    %eq3A_111 = arith.cmpf oeq, %mul3A_106, %eq3A_110 : vector<512x2048xf32>
    %jit3A_112 = arith.constant 3.000000e+09 : f32
    %broadcast_in_dim3A_113 = vector.broadcast %jit3A_112 : f32 to vector<512x2048xf32>
    %select_n3A_114 = arith.select %eq3A_111, %convert_element_type3A, %broadcast_in_dim3A_113 : vector<512x2048xi1>, vector<512x2048xf32>
    %reduce_min3A_115 = arith.constant dense<0x7F800000> : vector<512xf32>
    %reduce_min3A_116 = vector.multi_reduction <minimumf>, %select_n3A_114, %reduce_min3A_115 [1] : vector<512x2048xf32> to vector<512xf32>
    %broadcast_in_dim3A_117 = vector.shape_cast %reduce_min3A_116 : vector<512xf32> to vector<512x1xf32>
    %add3A_118 = arith.constant 4.096000e+03 : f32
    %add3A_119 = vector.broadcast %add3A_118 : f32 to vector<512x1xf32>
    %add3A_120 = arith.addf %broadcast_in_dim3A_117, %add3A_119 : vector<512x1xf32>
    %lt3A_121 = arith.cmpf olt, %broadcast_in_dim3A_109, %bitcast_convert_type3A_89 : vector<512x1xf32>
    %select_n3A_122 = arith.select %lt3A_121, %add3A_120, %select_n3A_73 : vector<512x1xi1>, vector<512x1xf32>
    %select_n3A_123 = arith.select %lt3A_121, %broadcast_in_dim3A_109, %bitcast_convert_type3A_89 : vector<512x1xi1>, vector<512x1xf32>
    %bitcast_convert_type3A_124 = tpu.bitcast %select_n3A_123 : vector<512x1xf32> -> vector<512x1xi32>
    %add3A_125 = arith.constant 32767 : i32
    %add3A_126 = vector.broadcast %add3A_125 : i32 to vector<512x1xi32>
    %add3A_127 = arith.addi %bitcast_convert_type3A_124, %add3A_126 : vector<512x1xi32>
    %shift_right_arithmetic3A_128 = arith.constant 16 : i32
    %shift_right_arithmetic3A_129 = vector.broadcast %shift_right_arithmetic3A_128 : i32 to vector<512x1xi32>
    %shift_right_arithmetic3A_130 = arith.shrsi %bitcast_convert_type3A_124, %shift_right_arithmetic3A_129 : vector<512x1xi32>
    %and3A_131 = arith.constant 1 : i32
    %and3A_132 = vector.broadcast %and3A_131 : i32 to vector<512x1xi32>
    %and3A_133 = arith.andi %shift_right_arithmetic3A_130, %and3A_132 : vector<512x1xi32>
    %add3A_134 = arith.addi %add3A_127, %and3A_133 : vector<512x1xi32>
    %and3A_135 = arith.constant -65536 : i32
    %and3A_136 = vector.broadcast %and3A_135 : i32 to vector<512x1xi32>
    %and3A_137 = arith.andi %add3A_134, %and3A_136 : vector<512x1xi32>
    %bitcast_convert_type3A_138 = tpu.bitcast %and3A_137 : vector<512x1xi32> -> vector<512x1xf32>
    %get3A_139 = arith.constant 0 : index
    %get3A_140 = arith.constant 0 : index
    %get3A_141 = vector.load %arg1[%get3A_139, %get3A_140] : memref<512x64xbf16, #tpu.memory_space<vmem>>, vector<512x64xbf16>
    %get3A_142 = arith.constant 6144 : index
    %get3A_143 = arith.constant 0 : index
    %get3A_144 = vector.load %arg3[%get3A_142, %get3A_143] : memref<8192x64xf32, #tpu.memory_space<vmem>>, vector<2048x64xf32>
    %dot_general3A_145 = arith.constant dense<0.000000e+00> : vector<512x2048xf32>
    %dot_general3A_146 = tpu.matmul %get3A_141, %get3A_144, %dot_general3A_145 {dimension_numbers = #tpu.dot_dimension_numbers<[1], [1], [0], [0], [0, 0, 1, 0], [], []>, transpose_lhs_hint = false} : vector<512x64xbf16>, vector<2048x64xf32>, vector<512x2048xf32> -> vector<512x2048xf32>
    %get3A_147 = arith.constant 0 : index
    %get3A_148 = arith.constant 6144 : index
    %get3A_149 = vector.load %arg4[%get3A_147, %get3A_148] : memref<1x8192xf32, #tpu.memory_space<vmem>>, vector<1x2048xf32>
    %add3A_150 = vector.broadcast %get3A_4 : vector<512x1xf32> to vector<512x2048xf32>
    %add3A_151 = vector.broadcast %get3A_149 : vector<1x2048xf32> to vector<512x2048xf32>
    %add3A_152 = arith.addf %add3A_150, %add3A_151 : vector<512x2048xf32>
    %sub3A_153 = arith.subf %add3A_152, %dot_general3A_146 : vector<512x2048xf32>
    %rsqrt3A_154 = math.rsqrt %sub3A_153 : vector<512x2048xf32>
    %mul3A_155 = arith.mulf %sub3A_153, %rsqrt3A_154 : vector<512x2048xf32>
    %reduce_min3A_156 = arith.constant dense<0x7F800000> : vector<512xf32>
    %reduce_min3A_157 = vector.multi_reduction <minimumf>, %mul3A_155, %reduce_min3A_156 [1] : vector<512x2048xf32> to vector<512xf32>
    %broadcast_in_dim3A_158 = vector.shape_cast %reduce_min3A_157 : vector<512xf32> to vector<512x1xf32>
    %eq3A_159 = vector.broadcast %broadcast_in_dim3A_158 : vector<512x1xf32> to vector<512x2048xf32>
    %eq3A_160 = arith.cmpf oeq, %mul3A_155, %eq3A_159 : vector<512x2048xf32>
    %jit3A_161 = arith.constant 3.000000e+09 : f32
    %broadcast_in_dim3A_162 = vector.broadcast %jit3A_161 : f32 to vector<512x2048xf32>
    %select_n3A_163 = arith.select %eq3A_160, %convert_element_type3A, %broadcast_in_dim3A_162 : vector<512x2048xi1>, vector<512x2048xf32>
    %reduce_min3A_164 = arith.constant dense<0x7F800000> : vector<512xf32>
    %reduce_min3A_165 = vector.multi_reduction <minimumf>, %select_n3A_163, %reduce_min3A_164 [1] : vector<512x2048xf32> to vector<512xf32>
    %broadcast_in_dim3A_166 = vector.shape_cast %reduce_min3A_165 : vector<512xf32> to vector<512x1xf32>
    %add3A_167 = arith.constant 6.144000e+03 : f32
    %add3A_168 = vector.broadcast %add3A_167 : f32 to vector<512x1xf32>
    %add3A_169 = arith.addf %broadcast_in_dim3A_166, %add3A_168 : vector<512x1xf32>
    %lt3A_170 = arith.cmpf olt, %broadcast_in_dim3A_158, %bitcast_convert_type3A_138 : vector<512x1xf32>
    %select_n3A_171 = arith.select %lt3A_170, %add3A_169, %select_n3A_122 : vector<512x1xi1>, vector<512x1xf32>
    %convert_element_type3A_172 = arith.fptosi %select_n3A_171 : vector<512x1xf32> to vector<512x1xi32>
    %swap3A = arith.constant 0 : index
    %swap3A_173 = arith.constant 0 : index
    %swap3A_174 = vector.load %arg5[%swap3A, %swap3A_173] : memref<512x1xi32, #tpu.memory_space<vmem>>, vector<512x1xi32>
    tpu.vector_store %arg5[%swap3A, %swap3A_173], %convert_element_type3A_172 {strides = array<i32>} : memref<512x1xi32, #tpu.memory_space<vmem>>, vector<512x1xi32>,
    return
  }
  func.func @transform_0(%arg0: i32) -> (i32, i32) {
    %c0_i32 = arith.constant 0 : i32
    %c0_i32_0 = arith.constant 0 : i32
    return %arg0, %c0_i32 : i32, i32
  }
  func.func @transform_1(%arg0: i32) -> (i32, i32) {
    %c0_i32 = arith.constant 0 : i32
    %c0_i32_0 = arith.constant 0 : i32
    return %arg0, %c0_i32 : i32, i32
  }
  func.func @transform_2(%arg0: i32) -> (i32, i32) {
    %c0_i32 = arith.constant 0 : i32
    %c0_i32_0 = arith.constant 0 : i32
    %c0_i32_1 = arith.constant 0 : i32
    return %c0_i32, %c0_i32_0 : i32, i32
  }
  func.func @transform_3(%arg0: i32) -> (i32, i32) {
    %c0_i32 = arith.constant 0 : i32
    %c0_i32_0 = arith.constant 0 : i32
    %c0_i32_1 = arith.constant 0 : i32
    return %c0_i32, %c0_i32_0 : i32, i32
  }
  func.func @transform_4(%arg0: i32) -> (i32, i32) {
    %c0_i32 = arith.constant 0 : i32
    %c0_i32_0 = arith.constant 0 : i32
    return %arg0, %c0_i32 : i32, i32
  }
}

</mosaic_0001>

<sc_bundles>
// kernel: kernel.4.cloned.1.call-start
scs
__scs_entry_jumppad:
0x0: {  	(pc) =	sbr.rel $0x88, $3  }
0x1: {  	(tag) =	ssettag $0x0;
	lr =	simm.s32 $0x1  }
0x2: {  	[smem:$0x3F9F] =	sst lr;
	_ =	strace $0xD0000000  }
0x3: {  	_ = 	snop  }
0x4: {  	_ = 	snop  }
0x5: {  	_ = 	snop  }
0x6: {  	_ = 	snop  }
0x7: {  	_ = 	snop  }
__scs_overlays_trampoline_lowered:
0x8: {  	[smem:$0x3FAE] =	sst s0  }
0x9: {  	[smem:$0x3FAF] =	sst s1  }
0xa: {  	[smem:$0x3FB0] =	sst s2  }
0xb: {  	[smem:$0x3FB1] =	sst s3  }
0xc: {  	[smem:$0x3FB2] =	sst s4  }
0xd: {  	[smem:$0x3FB3] =	sst s5  }
0xe: {  	[smem:$0x3FB4] =	sst s6  }
0xf: {  	[smem:$0x3FB5] =	sst s7  }
0x10: {  	[smem:$0x3FB6] =	sst s8  }
0x11: {  	[smem:$0x3FB7] =	sst s9;
	s0 =	simm.s32 @!p0 $0x0  }
0x12: {  	s1 =	sld [smem:$0x3F9D];
	s0 =	simm.s32 @p0 $0x1  }
0x13: {  	[smem:$0x3FB8] =	sst s0;
	s0 =	simm.s32 @!p1 $0x0  }
0x14: {  	s2 =	sld [smem:$0x3F9C];
	s0 =	simm.s32 @p1 $0x1  }
0x15: {  	[smem:$0x3FB9] =	sst s0;
	s0 =	simm.s32 @!p2 $0x0  }
0x16: {  	s3 =	sld [smem:$0x3FDB];
	s0 =	simm.s32 @p2 $0x1  }
0x17: {  	s4 =	simm.s32 $0x1BF5;
	[smem:$0x3FBB] =	sst s0  }
0x18: {  	s0 =	sld [smem:$0x3F9E];
	_ =	swait.ge [sflag:s4], $0x0  }
0x19: {  	s7 =	sld [smem:$0x3F9F]  }
0x1a: {  	s8 =	sadd.s32 $0xFFFFE003, lr  }
0x1b: {  	s9 =	sadd.s32 $0xFFFFFEF7, lr;
	s5 =	simm.s32 $0xFFFFFFFF;
	p2 =	slt.u32 s8, $0xFFFFF086  }
0x1c: {  	p1 =	slt.u32 s9, $0xF7A;
	s5 =	simm.s32 @!p2 $0x0  }
0x1d: {  	s5 =	simm.s32 @p1 $0x1;
	p0 =	seq.s32 s7, s2  }
0x1e: {  	s7 =	smul.u32 @!p0 $0xF7A, s2;
	p2 =	seq.s32 @!p0 s5, $0x0  }
0x1f: {  	s9 =	smul.u32 $0xF7A, s1;
	s8 =	simm.s32 @!p0 $0x1BF5;
	p2 =	por !p2, p0  }
0x20: {  	[sflag:s8] =	ssyncset.s32 @!p0 $0xFFFFF086;
	s6 =	sadd.s32 @!p0 s3, s7;
	s7 =	simm.s32 @!p0 $0x108  }
0x21: {  	s3 =	sadd.s32 s3, s9;
	s6 =	sadd.s32 @!p0 $0x88, s6;
	s7 =	simm.s32 @p2 $0x1082  }
0x22: {  	[simem:s7], [sflag:s8] =	dma.local @!p0 [hbm:s6], $0xF7A  }
0x23: {  	s9 =	sor.u32 $0xD0000000, s2;
	s6 =	simm.s32 $0x108;
	_ =	swait.ge @!p0 [sflag:s8], $0x0  }
0x24: {  	s3 =	sadd.s32 $0x88, s3;
	s6 =	simm.s32 @!p1 $0x1082;
	[sflag:s4] =	ssyncset.s32 $0xFFFFF086  }
0x25: {  	[simem:s6], [sflag:s4] =	dma.local [hbm:s3], $0xF7A  }
0x26: {  	[smem:$0x3F9F] =	sst s1;
	(tag) =	ssettag s2;
	_ =	strace s9  }
0x27: {  	s1 =	sld [smem:$0x3FAF]  }
0x28: {  	s2 =	sld [smem:$0x3FB0]  }
0x29: {  	s4 =	sld [smem:$0x3FB2]  }
0x2a: {  	p0 =	seq.s32 s5, $0x0;
	s5 =	sld [smem:$0x3FB3]  }
0x2b: {  	s6 =	sld [smem:$0x3FB4]  }
0x2c: {  	s7 =	sld [smem:$0x3FB5]  }
0x2d: {  	s3 =	simm.s32 $0x108;
	s8 =	sld [smem:$0x3FB6]  }
0x2e: {  	s3 =	simm.s32 @!p0 $0x1082;
	s9 =	sld [smem:$0x3FB7]  }
0x2f: {  	lr =	sadd.s32 s0, s3;
	s0 =	sld [smem:$0x3FAE]  }
0x30: {  	s3 =	sld [smem:$0x3FB1]  }
0x31: {  	[smem:$0x3FBA] =	sst s10  }
0x32: {  	s10 =	sld [smem:$0x3FB8];
	_ =	sdelay $0x3  }
0x33: {  	p0 =	seq.s32 s10, $0x1;
	s10 =	sld [smem:$0x3FBA];
	_ =	sdelay $0x3  }
0x34: {  	[smem:$0x3FBA] =	sst s10  }
0x35: {  	s10 =	sld [smem:$0x3FB9];
	_ =	sdelay $0x3  }
0x36: {  	p1 =	seq.s32 s10, $0x1;
	s10 =	sld [smem:$0x3FBA];
	_ =	sdelay $0x3  }
0x37: {  	[smem:$0x3FBA] =	sst s10  }
0x38: {  	s10 =	sld [smem:$0x3FBB]  }
0x39: {  	_ = 	snop;
	(pc) =	sbr.ind lr, $3  }
0x3a: {  	_ = 	snop  }
0x3b: {  	_ = 	snop  }
0x3c: {  	p2 =	seq.s32 s10, $0x1;
	s10 =	sld [smem:$0x3FBA]  }
0x3d: {  	_ =	shalt  }
0x3e: {  	_ =	shalt  }
0x3f: {  	_ =	shalt  }
0x40: {  	_ =	shalt  }
0x41: {  	_ =	shalt  }
0x42: {  	_ =	shalt  }
0x43: {  	_ =	shalt  }
0x44: {  	_ =	shalt  }
0x45: {  	_ =	shalt  }
0x46: {  	_ =	shalt  }
0x47: {  	_ =	shalt  }
0x48: {  	_ =	shalt  }
0x49: {  	_ =	shalt  }
0x4a: {  	_ =	shalt  }
0x4b: {  	_ =	shalt  }
0x4c: {  	_ =	shalt  }
0x4d: {  	_ =	shalt  }
0x4e: {  	_ =	shalt  }
0x4f: {  	_ =	shalt  }
0x50: {  	_ =	shalt  }
0x51: {  	_ =	shalt  }
0x52: {  	_ =	shalt  }
0x53: {  	_ =	shalt  }
0x54: {  	_ =	shalt  }
0x55: {  	_ =	shalt  }
0x56: {  	_ =	shalt  }
0x57: {  	_ =	shalt  }
0x58: {  	_ =	shalt  }
0x59: {  	_ =	shalt  }
0x5a: {  	_ =	shalt  }
0x5b: {  	_ =	shalt  }
0x5c: {  	_ =	shalt  }
0x5d: {  	_ =	shalt  }
0x5e: {  	_ =	shalt  }
0x5f: {  	_ =	shalt  }
0x60: {  	_ =	shalt  }
0x61: {  	_ =	shalt  }
0x62: {  	_ =	shalt  }
0x63: {  	_ =	shalt  }
0x64: {  	_ =	shalt  }
0x65: {  	_ =	shalt  }
0x66: {  	_ =	shalt  }
0x67: {  	_ =	shalt  }
0x68: {  	_ =	shalt  }
0x69: {  	_ =	shalt  }
0x6a: {  	_ =	shalt  }
0x6b: {  	_ =	shalt  }
0x6c: {  	_ =	shalt  }
0x6d: {  	_ =	shalt  }
0x6e: {  	_ =	shalt  }
0x6f: {  	_ =	shalt  }
0x70: {  	_ =	shalt  }
0x71: {  	_ =	shalt  }
0x72: {  	_ =	shalt  }
0x73: {  	_ =	shalt  }
0x74: {  	_ =	shalt  }
0x75: {  	_ =	shalt  }
0x76: {  	_ =	shalt  }
0x77: {  	_ =	shalt  }
0x78: {  	_ =	shalt  }
0x79: {  	_ =	shalt  }
0x7a: {  	_ =	shalt  }
0x7b: {  	_ =	shalt  }
0x7c: {  	_ =	shalt  }
0x7d: {  	_ =	shalt  }
0x7e: {  	_ =	shalt  }
0x7f: {  	_ =	shalt  }
0x80: {  	_ =	shalt  }
0x81: {  	_ =	shalt  }
0x82: {  	_ =	shalt  }
0x83: {  	_ =	shalt  }
0x84: {  	_ =	shalt  }
0x85: {  	_ =	shalt  }
0x86: {  	_ =	shalt  }
0x87: {  	_ =	shalt  }
.Lfunc_end0:
.L_simem_size_0:
called_computation_lowered:
.L_overlay_start_0:
0x88: {  	s2 =	sld [smem:$0x3FD9]  }
0x89: {  	s3 =	sld [smem:$0x3FFE];
	_ =	sdelay $0x1  }
0x8a: {  	s1 =	srdreg.scid  }
0x8b: {  	s0 =	sand.u32 $0x1, s1  }
0x8c: {  	s14 =	sshll.u32 s0, $0xA;
	s2 =	sadd.s32 s3, s2  }
0x8d: {  	s2 =	sadd.s32 s2, s14  }
0x8e: {  	[smem:$0x3FC6] =	sst s2  }
0x8f: {  	_ = 	snop  }
0x90: {  	s2 =	sld [smem:$0x3FD0];
	_ =	sdelay $0x2  }
0x91: {  	s15 =	simm.s32 $0xA;
	s4 =	simm.s32 $0x10  }
0x92: {  	[smem:s4], [sflag:s15] =	dma.local [hbm:s2], $0x1  }
0x93: {  	_ =	swait.eq [sflag:s15], $0x1  }
0x94: {  	[sflag:s15] =	ssyncset.done $0x0  }
0x95: {  	[sflag:s15] =	ssyncadd.s32 $0xFFFFFFFF  }
0x96: {  	s16 =	sld [smem:$0x10];
	(tm) =	ssettm $0x1  }
0x97: {  	s17 =	sld [smem:$0x3FFB];
	_ =	sdelay $0x3  }
0x98: {  	_ =	strace s17  }
0x99: {  	s3 =	sld [smem:$0x3FFC];
	_ =	sdelay $0x3  }
0x9a: {  	_ =	strace s3  }
0x9b: {  	s3 =	sld [smem:$0x3FFD];
	_ =	sdelay $0x3  }
0x9c: {  	_ =	strace s3  }
0x9d: {  	_ =	strace $0x8FFFFFFF  }
0x9e: {  	s18 =	sld [smem:$0x3FDB];
	_ =	sdelay $0x1  }
0x9f: {  	s19 =	simm.s32 $_scs_section_size  }
0xa0: {  	s5 =	simm.s32 $_size__tile_overlayer_lowered;
	s6 =	simm.s32 $_tile_overlayer_lowered  }
0xa1: {  	s22 =	simm.s32 $0x1BFF;
	s21 =	sshll.u32 s6, $0x1;
	s3 =	sadd.s32 s19, s18  }
0xa2: {  	s7 =	simm.s32 $0x0;
	s20 =	sshll.u32 s5, $0x1;
	s5 =	sadd.s32 s21, s3  }
0xa3: {  	[timem:s7], [sflag:s22] =	dma.local [hbm:s5], s20  }
0xa4: {  	_ =	swait.ge [sflag:s22], s20  }
0xa5: {  	s4 =	ssub.s32 $0x0, s20;
	[sflag:s22] =	ssyncset.done $0x0  }
0xa6: {  	[sflag:s22] =	ssyncadd.s32 s4;
	_ =	sdelay $0x1  }
0xa7: {  	s23 =	simm.s32 $0x1B8B  }
0xa8: {  	_ =	swait.ge [sflag:s23], $0x1  }
0xa9: {  	[sflag:s23] =	ssyncset.done $0x0  }
0xaa: {  	s25 =	simm.s32 $0x1B8E;
	s24 =	sld [smem:$0x3FFE];
	[sflag:s23] =	ssyncadd.s32 $0xFFFFFFFF  }
0xab: {  	s26 =	simm.s32 $execute0_lowered;
	[smem:$0x3FD2] =	sst s25  }
0xac: {  	s5 =	sshll.u32 s26, $0x1;
	_ =	strace $0x80000046;
	[dreg:$0x1] =	wrdreg $0xFFFFFFFF  }
0xad: {  	s28 =	simm.s32 $_size_execute0_lowered;
	s3 =	sadd.s32 s3, s5;
	[dreg:$0x0] =	wrdreg $0x0  }
0xae: {  	s5 =	sshll.u32 s28, $0x1;
	[dreg:$0x2] =	wrdreg s3  }
0xaf: {  	[dreg:$0x3] =	wrdreg s5  }
0xb0: {  	[dreg:$0x4] =	wrdreg $0xC0  }
0xb1: {  	_ =	task [dreg:s7], $0x5FFFF  }
0xb2: {  	[dreg:$0x1] =	wrdreg $0xFFFFFFFF  }
0xb3: {  	[dreg:$0x0] =	wrdreg $0x60  }
0xb4: {  	[dreg:$0x2] =	wrdreg s24  }
0xb5: {  	[dreg:$0x3] =	wrdreg s16  }
0xb6: {  	[dreg:$0x4] =	wrdreg $0x9  }
0xb7: {  	_ =	task.clear_ibuf [dreg:s7], $0x5FFFF;
	_ =	strace $0x90000046  }
0xb8: {  	s29 =	simm.s32 $0x9;
	_ =	strace $0x80000048  }
0xb9: {  	_ =	swait.ge [sflag:s29], $0x1  }
0xba: {  	[sflag:s29] =	ssyncadd.s32 $0xFFFFFFFF  }
0xbb: {  	_ =	strace $0x90000048  }
0xbc: {  	_ =	sfence  }
0xbd: {  	s30 =	sld [smem:$0x0];
	_ =	sdelay $0x2  }
0xbe: {  	s31 =	sshll.u32 s1, $0xD;
	s1 =	sshrl.u32 s1, $0x2  }
0xbf: {  	s3 =	sand.u32 $0x4000, s31;
	s1 =	sadd.s32 s1, s30  }
0xc0: {  	s0 =	sor.u32 s3, s0;
	s1 =	sshll.u32 s1, $0x11  }
0xc1: {  	s0 =	sor.u32 s1, s0  }
0xc2: {  	s0 =	sadd.s32 $0x8F2B, s0  }
0xc3: {  	[sflag:s0] =	ssyncadd.remote.s32 $0x1  }
0xc4: {  	_ =	sfence.sel $0xFFFF  }
0xc5: {  	[dreg:$0x0] =	wrdreg $0xFFFFFFFF;
	(pc) =	sbr.abs _section_cstart, $3  }
0xc6: {  	[dreg:$0x1] =	wrdreg $0xFFFFFFFF  }
0xc7: {  	_ =	task.clear_ibuf [dreg:s7], $0x2FFFF;
	_ =	strace $0x9FFFFFFF  }
0xc8: {  	(tm) =	ssettm $0x7FFFFFFF  }
0xc9: {  	_ =	shalt  }
tec
execute0_lowered:
.L_overlay_start_1:
0x0: {  	(tag) =	ssettag $0x1  }
0x1: {  	s4 =	rddreg [dreg:$0x0]  }
0x2: {  	s5 =	rddreg [dreg:$0x1]  }
0x3: {  	s0 =	rddreg [dreg:$0x2];
	s3 =	srdreg.scid  }
0x4: {  	s1 =	stileid.u32;
	s2 =	simm.s32 $0x0;
	s11 =	simm.s32 $0x60  }
0x5: {  	s12 =	simm.s32 $0x180;
	s13 =	simm.s32 $0x3180;
	s14 =	simm.s32 $0xC0  }
0x6: {  	s15 =	simm.s32 $0x6180;
	s16 =	simm.s32 $0x1;
	s17 =	simm.s32 $0x12180  }
0x7: {  	s18 =	simm.s32 $0x0;
	s6 =	sand.u32 $0x1, s3;
	s30 =	sshll.u32 s1, $0x1  }
0x8: {  	[smem:$0x7FF] =	sst s2;
	s3 =	sadd.s32 $0x24000, s4;
	s7 =	sor.u32 s6, s30  }
0x9: {  	_ =	strace $0x80000047;
	s6 =	ssub.s32 $0x2, s6;
	s8 =	smul.u32 $0x1200, s7  }
0xa: {  	s9 =	sshll.u32 s7, $0x4;
	s7 =	smul.u32 $0x24, s7;
	s10 =	sshrl.u32 s6, $0x1  }
0xb: {  	s9 =	sadd.s32 s9, s4;
	s31 =	ssub.s32 s6, s10;
	s10 =	simm.s32 $0x9180  }
0xc: {  	s4 =	sadd.s32 s4, s8;
	s5 =	sadd.s32 s5, s7;
	s7 =	sadd.s32 $0x44000, s9  }
0xd: {  	s8 =	smax.u32 s31, $0x1;
	s9 =	simm.s32 $0x2;
	s6 =	sadd.s32 $0x44200, s4  }
.LBB2_1:
0xe: {  	[tilespmem:s2], [sflag:$0x2] =	stream.linear.gather [hbm4b:s5+s2], $0x120, $0x38;
	[tilespmem:$0x12200] =	vst v63  }
0xf: {  	_ =	swait.ge [sflag:s9], $0x120  }
0x10: {  	[sflag:s9] =	ssyncset.done $0x0  }
0x11: {  	[sflag:s9] =	ssyncadd.s32 $0xFFFFFEE0  }
0x12: {  	[tilespmem:s10], [sflag:$0x2] =	stream.linear.gather [hbm4b:s4+s2], $0x9000, $0x38;
	[tilespmem:$0x12200] =	vst v63  }
0x13: {  	_ =	swait.ge [sflag:s9], $0x9000  }
0x14: {  	[sflag:s9] =	ssyncset.done $0x0  }
0x15: {  	[sflag:s9] =	ssyncadd.s32 $0xFFFF7000  }
0x16: {  	[tilespmem:s12], [sflag:$0x1] =	stream.indirect.gather [hbm4b:s3+s11], $0x80, s2, s11, $0xb8;
	[tilespmem:$0x12200] =	vst v63  }
0x17: {  	_ = 	snop  }
0x18: {  	[tilespmem:s13], [sflag:$0x1] =	stream.indirect.gather [hbm4b:s3+s11], $0x80, s11, s11, $0xb8;
	[tilespmem:$0x12200] =	vst v63  }
0x19: {  	_ = 	snop  }
0x1a: {  	[tilespmem:s15], [sflag:$0x1] =	stream.indirect.gather [hbm4b:s3+s11], $0x80, s14, s11, $0xb8;
	[tilespmem:$0x12200] =	vst v63  }
0x1b: {  	_ =	swait.ge [sflag:s16], $0x3000  }
0x1c: {  	[sflag:s16] =	ssyncset.done $0x0  }
0x1d: {  	[sflag:s16] =	ssyncadd.s32 $0xFFFFD000  }
0x1e: {  	_ =	swait.ge [sflag:s16], $0x3000  }
0x1f: {  	[sflag:s16] =	ssyncset.done $0x0  }
0x20: {  	[sflag:s16] =	ssyncadd.s32 $0xFFFFD000  }
0x21: {  	_ =	swait.ge [sflag:s16], $0x3000  }
0x22: {  	[sflag:s16] =	ssyncset.done $0x0  }
0x23: {  	s20 =	simm.s32 $0x0;
	[sflag:s16] =	ssyncadd.s32 $0xFFFFD000  }
0x24: {  	v0 =	vld [tilespmem:s20+$0x1B0]  }
0x25: {  	v2 =	vld [tilespmem:s20+$0x1A0]  }
0x26: {  	v3 =	vld [tilespmem:s20+$0x91B0]  }
0x27: {  	v5 =	vld [tilespmem:s20+$0x190]  }
0x28: {  	v6 =	vld [tilespmem:s20+$0x91A0]  }
0x29: {  	v7 =	vld [tilespmem:s20+$0x180]  }
0x2a: {  	v9 =	vld [tilespmem:s20+$0x9180]  }
0x2b: {  	v10 =	vld [tilespmem:s20+$0x9190]  }
0x2c: {  	v0 =	vsub.f32 v0, v3  }
0x2d: {  	s19 =	simm.s32 $0x80;
	v4 =	vsub.f32 v2, v6  }
0x2e: {  	v1 =	vld [tilespmem:s19+$0x1B0];
	v8 =	vadd.f32 v0, v3  }
0x2f: {  	v2 =	vld [tilespmem:s19+$0x190];
	v12 =	vsub.f32 v7, v9;
	v6 =	vadd.f32 v4, v6  }
0x30: {  	v7 =	vsub.f32 v5, v10;
	v3 =	vld [tilespmem:s19+$0x1A0];
	[tilespmem:s20+$0x91B0] =	vst v8  }
0x31: {  	v11 =	vadd.f32 v12, v9;
	v5 =	vld [tilespmem:s19+$0x91B0];
	[tilespmem:s20+$0x91A0] =	vst v6  }
0x32: {  	s21 =	simm.s32 $0x400;
	v9 =	vmul.f32 v12, v12;
	v10 =	vadd.f32 v7, v10;
	v8 =	vimm.f32 $0.0e+00;
	v6 =	vld [tilespmem:s19+$0x91A0]  }
.LBB2_2:
0x33: {  	p0 =	sne.s32 s21, $0x23E00;
	v12 =	vld [tilespmem:s19+$0x180];
	[tilespmem:s20+$0x9180] =	vst v11;
	s22 =	smov.u32 s21;
	s21 =	sadd.s32 $0x200, s21  }
0x34: {  	v8 =	vadd.f32 v9, v8;
	v7 =	vmul.f32 v7, v7;
	v11 =	vld [tilespmem:s19+$0x9180];
	[tilespmem:s20+$0x9190] =	vst v10;
	s20 =	smov.u32 s19  }
0x35: {  	v10 =	vld [tilespmem:s20+$0x9190]  }
0x36: {  	v7 =	vadd.f32 v7, v8;
	v8 =	vmul.f32 v4, v4;
	v9 =	vsub.f32 v1, v5  }
0x37: {  	s19 =	sshra.s32 s22, $0x2;
	v4 =	vsub.f32 v3, v6  }
.Ltmp0:
0x38: {  	v13 =	vmul.f32 v0, v0;
	v8 =	vadd.f32 v8, v7;
	v1 =	vld [tilespmem:s19+$0x1B0];
	v5 =	vadd.f32 v9, v5;
	v0 =	vmovc v9;
	(pc) =	sbr.rel @p0 .LBB2_2-.Ltmp0, $4  }
0x39: {  	v3 =	vld [tilespmem:s19+$0x1A0];
	v9 =	vsub.f32 v12, v11;
	v6 =	vadd.f32 v4, v6  }
0x3a: {  	v8 =	vadd.f32 v13, v8;
	v7 =	vsub.f32 v2, v10;
	v2 =	vld [tilespmem:s19+$0x190];
	[tilespmem:s20+$0x91B0] =	vst v5  }
0x3b: {  	v5 =	vld [tilespmem:s19+$0x91B0];
	v11 =	vadd.f32 v9, v11;
	v9 =	vmul.f32 v9, v9;
	[tilespmem:s20+$0x91A0] =	vst v6  }
0x3c: {  	v6 =	vld [tilespmem:s19+$0x91A0];
	v10 =	vadd.f32 v7, v10  }
0x3d: {  	v12 =	vld [tilespmem:s19+$0x180];
	[tilespmem:s20+$0x9180] =	vst v11  }
0x3e: {  	v11 =	vld [tilespmem:s19+$0x9180]  }
0x3f: {  	v8 =	vadd.f32 v9, v8;
	v7 =	vmul.f32 v7, v7;
	[tilespmem:s20+$0x9190] =	vst v10  }
0x40: {  	v58 =	vld [tilespmem:s19+$0x9190]  }
0x41: {  	v4 =	vmul.f32 v4, v4;
	v7 =	vadd.f32 v7, v8;
	_ =	sdelay $0x1  }
0x42: {  	v0 =	vmul.f32 v0, v0;
	v4 =	vadd.f32 v4, v7;
	v59 =	vsub.f32 v12, v11;
	_ =	sdelay $0x1  }
0x43: {  	v0 =	vadd.f32 v0, v4;
	v2 =	vsub.f32 v2, v58;
	v60 =	vmul.f32 v59, v59  }
0x44: {  	v1 =	vsub.f32 v1, v5  }
0x45: {  	v3 =	vsub.f32 v3, v6;
	v61 =	vmul.f32 v2, v2;
	v0 =	vadd.f32 v60, v0;
	_ =	sdelay $0x1  }
0x46: {  	v5 =	vadd.f32 v1, v5;
	v62 =	vmul.f32 v3, v3;
	v0 =	vadd.f32 v61, v0  }
0x47: {  	v3 =	vadd.f32 v3, v6  }
0x48: {  	v1 =	vmul.f32 v1, v1;
	[tilespmem:s19+$0x91B0] =	vst v5;
	v63 =	vadd.f32 v59, v11;
	v0 =	vadd.f32 v62, v0  }
0x49: {  	[tilespmem:s19+$0x91A0] =	vst v3;
	v2 =	vadd.f32 v2, v58  }
0x4a: {  	[tilespmem:s19+$0x9180] =	vst v63;
	v0 =	vadd.f32 v1, v0  }
0x4b: {  	[tilespmem:s19+$0x9190] =	vst v2  }
0x4c: {  	[tilespmem:$0x12180] =	vst v0  }
0x4d: {  	[hbm4b:s6+s2] =	stream.linear.scatter [tilespmem:s10], [sflag:$0x2], $0x9000, $0x38;
	[tilespmem:$0x12200] =	vst v63  }
0x4e: {  	s18 =	sadd.s32 $0x1, s18;
	_ =	swait.ge [sflag:s9], $0x9000  }
0x4f: {  	p0 =	sne.s32 s18, s8;
	[sflag:s9] =	ssyncset.done $0x0  }
.Ltmp1:
0x50: {  	[sflag:s9] =	ssyncadd.s32 $0xFFFF7000;
	(pc) =	sbr.rel @p0 .LBB2_1-.Ltmp1, $4  }
0x51: {  	[hbm4b:s7+s2] =	stream.linear.scatter [tilespmem:s17], [sflag:$0x2], $0x80, $0x38;
	[tilespmem:$0x12200] =	vst v63  }
0x52: {  	_ =	swait.ge [sflag:s9], $0x80  }
0x53: {  	[sflag:s9] =	ssyncset.done $0x0  }
0x54: {  	[sflag:s9] =	ssyncadd.s32 $0xFFFFFF80  }
0x55: {  	_ =	sfence.sel $0x180000  }
0x56: {  	[bflag:$0x0] =	sbarrier.arrive $0xFFFF  }
0x57: {  	p0 =	sne.s32 s1, $0x0;
	_ =	strace $0x90000047  }
0x58: {  	s0 =	sadd.s32 @!p0 $0x100000, s0;
	[bflag:$0x2] =	sbarrier.arrive $0xFFFF  }
0x59: {  	[sflag:s0] =	ssyncadd.tile.s32 @!p0 $0x1;
	_ =	shalt  }
.Lfunc_end2:
_tile_overlayer_lowered:
.L_overlay_start_2:
0x5a: {  	(tag) =	ssettag $0x2  }
0x5b: {  	s0 =	rddreg [dreg:$0x0];
	s2 =	stileid.u32  }
0x5c: {  	s1 =	rddreg [dreg:$0x1];
	p0 =	sne.s32 s2, $0x0  }
0x5d: {  	s3 =	rddreg [dreg:$0x2];
	[bflag:$0x3] =	sbarrier.arrive $0xFFFF;
	s2 =	simm.s32 @!p0 $0x1C02  }
0x5e: {  	[timem:s3], [sflag:s2] =	dma.local @!p0 [hbm:s0], s1  }
0x5f: {  	s0 =	simm.s32 @!p0 $0x2  }
0x60: {  	_ =	swait.ge @!p0 [sflag:s0], s1  }
0x61: {  	s1 =	ssub.s32 @!p0 $0x0, s1;
	[sflag:s0] =	ssyncset.done @!p0 $0x0  }
0x62: {  	[sflag:s0] =	ssyncadd.s32 @!p0 s1  }
0x63: {  	[bflag:$0x3] =	sbarrier.arrive $0xFFFF  }
0x64: {  	_ =	shalt  }

</sc_bundles>
